<compile_context>
chip_gen: v7x
topology: tpu7x:2x2x1
jax: 0.10.2.dev20260603
libtpu: 0.0.44.dev20260713+nightly
codegen_flags: <defaults>
</compile_context>

<pallas_src>
import functools

import jax
import jax.numpy as jnp
from jax import lax
from jax.experimental import pallas as pl
from jax.experimental.pallas import tpu as pltpu
from jax.experimental.pallas import tpu_sc as plsc

BSZ, SEQLEN, VOCAB = 8, 512, 32000
N_POS = BSZ * SEQLEN

_info = plsc.get_sparse_core_info()
NC, NS, L = _info.num_cores, _info.num_subcores, _info.num_lanes
NW = NC * NS
B_PER_W = N_POS // NW
GROUPS = B_PER_W // L
ROWS_PER_BATCH = NW // BSZ


@functools.partial(
    pl.kernel,
    mesh=plsc.VectorSubcoreMesh(core_axis_name="c", subcore_axis_name="s"),
    out_type=jax.ShapeDtypeStruct((NW, L), jnp.float32),
    scratch_types=[
        pltpu.VMEM((B_PER_W,), jnp.int32),
        pltpu.VMEM((B_PER_W,), jnp.int32),
        pltpu.VMEM((B_PER_W,), jnp.float32),
        pltpu.VMEM((L,), jnp.float32),
        pltpu.SemaphoreType.DMA,
    ],
)
def _sc_gather_partials(lp_hbm, lab_hbm, out_hbm,
                        lab_v, idx_v, val_v, row_v, sem):
    wid = lax.axis_index("s") * NC + lax.axis_index("c")
    base = wid * B_PER_W

    pltpu.sync_copy(lab_hbm.at[pl.ds(base, B_PER_W)], lab_v)

    b = wid & (BSZ - 1)
    t_base = (wid >> 3) * B_PER_W

    lane = lax.iota(jnp.int32, L)
    for j in range(GROUPS):
        lab = lab_v[pl.ds(j * L, L)]
        t = (t_base + j * L) + lane
        idx_v[pl.ds(j * L, L)] = (
            b * (SEQLEN * VOCAB)
            + (t >> 3) * (VOCAB * 8)
            + (lab >> 7) * 1024
            + (t & 7) * 128
            + (lab & 127)
        )

    pltpu.async_copy(lp_hbm.at[idx_v], val_v, sem).wait()

    acc = jnp.zeros((L,), jnp.float32)
    for j in range(GROUPS):
        lab = lab_v[pl.ds(j * L, L)]
        val = val_v[pl.ds(j * L, L)]
        acc = acc + jnp.where(lab != 0, val, 0.0)

    row_v[...] = acc
    pltpu.sync_copy(row_v, out_hbm.at[b * ROWS_PER_BATCH + (wid >> 3)])


def _tc_reduce_body(p_ref, r_ref, o_ref):
    w = jnp.repeat(r_ref[...], ROWS_PER_BATCH, axis=0)
    o_ref[0, 0] = -jnp.sum(p_ref[...] * w)


def kernel(logprobs, label, reward, use_cuda):
    del use_cuda
    lp_flat = logprobs.reshape(
        BSZ, SEQLEN // 8, 8, VOCAB // 128, 128
    ).transpose(0, 1, 3, 2, 4).reshape(-1)
    lab_flat = label.astype(jnp.int32).reshape(
        BSZ, SEQLEN // 128, 128
    ).transpose(1, 0, 2).reshape(-1)

    partials = _sc_gather_partials(lp_flat, lab_flat)

    total = pl.pallas_call(
        _tc_reduce_body,
        out_shape=jax.ShapeDtypeStruct((1, 1), jnp.float32),
        in_specs=[
            pl.BlockSpec(memory_space=pltpu.VMEM),
            pl.BlockSpec(memory_space=pltpu.VMEM),
        ],
        out_specs=pl.BlockSpec(memory_space=pltpu.SMEM),
    )(partials, reward.astype(jnp.float32).reshape(BSZ, 1))
    return total[0, 0]

# --- scband reference (transcript-rebuilt; emitter-appended) ---
"""Pipeline reference for scband-pgloss-67353677136080 (READ-ONLY COPY).

The authoritative reference and input builder live on the scoring server;
editing this copy changes nothing except your own understanding.
"""

import jax, jax.numpy as jnp
import numpy as np

BSZ, SEQLEN, VOCAB = 8, 512, 32000
IGNORE_INDEX = 0

def setup_inputs(seed: int = 0) -> dict:
    key = jax.random.key(seed)
    k1, k2, k3 = jax.random.split(key, 3)
    logprobs = jax.random.normal(k1, (BSZ, SEQLEN, VOCAB), dtype=jnp.float32)
    label = jax.random.randint(k2, (BSZ, SEQLEN), 0, VOCAB, dtype=jnp.int64)
    reward = jax.random.uniform(k3, (BSZ,), dtype=jnp.float32)
    return {"logprobs": logprobs, "label": label, "reward": reward, "use_cuda": False}

def reference(logprobs, label, reward, use_cuda):
    # ignore_index column zeroed (torch code does logprobs[:, :, ignore_index] = 0
    # inside the loop; net effect is a single zeroing of that vocab column)
    lp = logprobs.at[:, :, IGNORE_INDEX].set(0.0)
    # gather logprob of the target token at each (batch, time) position
    gathered = jnp.take_along_axis(lp, label[..., None], axis=2)[..., 0]  # [bsz, seqlen]
    # per-batch reward weighting, summed over sequence and batch, negated
    loss = -jnp.sum(gathered * reward[:, None])
    # size_average=False, reduce=True -> return scalar sum
    return loss

if __name__ == "__main__":
    import jax
    _d = setup_inputs()
    print(jax.jit(kernel)(*tuple(_d.values())))

</pallas_src>

<mosaic_0001>
#map = affine_map<(d0, d1) -> (0)>
#map1 = affine_map<(d0, d1) -> (0, 0)>
module attributes {stable_mosaic.version = 14 : i64} {
  func.func @_sc_gather_partials(%arg0: i32, %arg1: i32, %arg2: memref<131072000xf32, #tpu.memory_space<hbm>>, %arg3: memref<4096xi32, #tpu.memory_space<hbm>>, %arg4: memref<32x16xf32, #tpu.memory_space<hbm>>, %arg5: memref<128xi32, #tpu.memory_space<vmem>>, %arg6: memref<128xi32, #tpu.memory_space<vmem>>, %arg7: memref<128xf32, #tpu.memory_space<vmem>>, %arg8: memref<16xf32, #tpu.memory_space<vmem>>, %arg9: memref<!tpu.dma_semaphore, #tpu.memory_space<semaphore_mem>>) attributes {dimension_semantics = [#tpu.dimension_semantics<core_parallel>, #tpu.dimension_semantics<subcore_parallel>], iteration_bounds = array<i64: 2, 16>, scalar_prefetch = 0 : i64, scratch_operands = 5 : i64, tpu.core_type = #tpu.core_type<sc_vector_subcore>, window_params = [{transform_indices = #map}, {transform_indices = #map}, {transform_indices = #map1}]} {
    %mul3A = arith.constant 2 : i32
    %mul3A_0 = arith.muli %arg1, %mul3A : i32
    %add3A = arith.addi %mul3A_0, %arg0 : i32
    %mul3A_1 = arith.constant 128 : i32
    %mul3A_2 = arith.muli %add3A, %mul3A_1 : i32
    "tpu.region"() ({
      %run_scoped3A = tpu.sem_alloc : memref<!tpu.dma_semaphore, #tpu.memory_space<semaphore_mem>>
      %dma_start3A_430 = tpu.memref_slice %arg3[%mul3A_2] : memref<4096xi32, #tpu.memory_space<hbm>> -> memref<128xi32, #tpu.memory_space<hbm>>
      %dma_start3A_431 = tpu.memref_slice %arg3[%mul3A_2] : memref<4096xi32, #tpu.memory_space<hbm>> -> memref<128xi32, #tpu.memory_space<hbm>>
      tpu.enqueue_dma source(%dma_start3A_431 : memref<128xi32, #tpu.memory_space<hbm>>) target(%arg5 : memref<128xi32, #tpu.memory_space<vmem>>) target_semaphore(%run_scoped3A : memref<!tpu.dma_semaphore, #tpu.memory_space<semaphore_mem>>)
      %dma_wait3A_432 = tpu.memref_slice %arg3[%mul3A_2] : memref<4096xi32, #tpu.memory_space<hbm>> -> memref<128xi32, #tpu.memory_space<hbm>>
      %dma_wait3A_433 = tpu.memref_slice %arg3[%mul3A_2] : memref<4096xi32, #tpu.memory_space<hbm>> -> memref<128xi32, #tpu.memory_space<hbm>>
      tpu.wait_dma2 semaphore(%run_scoped3A : memref<!tpu.dma_semaphore, #tpu.memory_space<semaphore_mem>>) src(%dma_wait3A_433 : memref<128xi32, #tpu.memory_space<hbm>>) dst(%arg5 : memref<128xi32, #tpu.memory_space<vmem>>)
      tpu.yield
    }) : () -> ()
    %and3A = arith.constant 7 : i32
    %and3A_3 = arith.andi %add3A, %and3A : i32
    %shift_right_arithmetic3A = arith.constant 3 : i32
    %shift_right_arithmetic3A_4 = arith.shrsi %add3A, %shift_right_arithmetic3A : i32
    %mul3A_5 = arith.constant 128 : i32
    %mul3A_6 = arith.muli %shift_right_arithmetic3A_4, %mul3A_5 : i32
    %iota3A = tpu.iota {dimensions = array<i32: 0>} : vector<16xi32>
    %get3A = arith.constant 0 : index
    %get3A_7 = tpu.vector_load %arg5[%get3A] {strides = array<i32>} : memref<128xi32, #tpu.memory_space<vmem>>, vector<16xi32>,
    %get3A_8 = vector.shape_cast %get3A_7 : vector<16xi32> to vector<16xi32>
    %add3A_9 = arith.constant 0 : i32
    %add3A_10 = arith.addi %mul3A_6, %add3A_9 : i32
    %add3A_11 = vector.broadcast %add3A_10 : i32 to vector<16xi32>
    %add3A_12 = arith.addi %add3A_11, %iota3A : vector<16xi32>
    %mul3A_13 = arith.constant 16384000 : i32
    %mul3A_14 = arith.muli %and3A_3, %mul3A_13 : i32
    %shift_right_arithmetic3A_15 = arith.constant 3 : i32
    %shift_right_arithmetic3A_16 = vector.broadcast %shift_right_arithmetic3A_15 : i32 to vector<16xi32>
    %shift_right_arithmetic3A_17 = arith.shrsi %add3A_12, %shift_right_arithmetic3A_16 : vector<16xi32>
    %mul3A_18 = arith.constant 256000 : i32
    %mul3A_19 = vector.broadcast %mul3A_18 : i32 to vector<16xi32>
    %mul3A_20 = arith.muli %shift_right_arithmetic3A_17, %mul3A_19 : vector<16xi32>
    %add3A_21 = vector.broadcast %mul3A_14 : i32 to vector<16xi32>
    %add3A_22 = arith.addi %add3A_21, %mul3A_20 : vector<16xi32>
    %shift_right_arithmetic3A_23 = arith.constant 7 : i32
    %shift_right_arithmetic3A_24 = vector.broadcast %shift_right_arithmetic3A_23 : i32 to vector<16xi32>
    %shift_right_arithmetic3A_25 = arith.shrsi %get3A_8, %shift_right_arithmetic3A_24 : vector<16xi32>
    %mul3A_26 = arith.constant 1024 : i32
    %mul3A_27 = vector.broadcast %mul3A_26 : i32 to vector<16xi32>
    %mul3A_28 = arith.muli %shift_right_arithmetic3A_25, %mul3A_27 : vector<16xi32>
    %add3A_29 = arith.addi %add3A_22, %mul3A_28 : vector<16xi32>
    %and3A_30 = arith.constant 7 : i32
    %and3A_31 = vector.broadcast %and3A_30 : i32 to vector<16xi32>
    %and3A_32 = arith.andi %add3A_12, %and3A_31 : vector<16xi32>
    %mul3A_33 = arith.constant 128 : i32
    %mul3A_34 = vector.broadcast %mul3A_33 : i32 to vector<16xi32>
    %mul3A_35 = arith.muli %and3A_32, %mul3A_34 : vector<16xi32>
    %add3A_36 = arith.addi %add3A_29, %mul3A_35 : vector<16xi32>
    %and3A_37 = arith.constant 127 : i32
    %and3A_38 = vector.broadcast %and3A_37 : i32 to vector<16xi32>
    %and3A_39 = arith.andi %get3A_8, %and3A_38 : vector<16xi32>
    %add3A_40 = arith.addi %add3A_36, %and3A_39 : vector<16xi32>
    %swap3A = arith.constant 0 : index
    %swap3A_41 = tpu.vector_load %arg6[%swap3A] {strides = array<i32>} : memref<128xi32, #tpu.memory_space<vmem>>, vector<16xi32>,
    %swap3A_42 = vector.shape_cast %swap3A_41 : vector<16xi32> to vector<16xi32>
    %swap3A_43 = vector.shape_cast %add3A_40 : vector<16xi32> to vector<16xi32>
    tpu.vector_store %arg6[%swap3A], %swap3A_43 {strides = array<i32>} : memref<128xi32, #tpu.memory_space<vmem>>, vector<16xi32>,
    %get3A_44 = arith.constant 16 : index
    %get3A_45 = tpu.vector_load %arg5[%get3A_44] {strides = array<i32>} : memref<128xi32, #tpu.memory_space<vmem>>, vector<16xi32>,
    %get3A_46 = vector.shape_cast %get3A_45 : vector<16xi32> to vector<16xi32>
    %add3A_47 = arith.constant 16 : i32
    %add3A_48 = arith.addi %mul3A_6, %add3A_47 : i32
    %add3A_49 = vector.broadcast %add3A_48 : i32 to vector<16xi32>
    %add3A_50 = arith.addi %add3A_49, %iota3A : vector<16xi32>
    %mul3A_51 = arith.constant 16384000 : i32
    %mul3A_52 = arith.muli %and3A_3, %mul3A_51 : i32
    %shift_right_arithmetic3A_53 = arith.constant 3 : i32
    %shift_right_arithmetic3A_54 = vector.broadcast %shift_right_arithmetic3A_53 : i32 to vector<16xi32>
    %shift_right_arithmetic3A_55 = arith.shrsi %add3A_50, %shift_right_arithmetic3A_54 : vector<16xi32>
    %mul3A_56 = arith.constant 256000 : i32
    %mul3A_57 = vector.broadcast %mul3A_56 : i32 to vector<16xi32>
    %mul3A_58 = arith.muli %shift_right_arithmetic3A_55, %mul3A_57 : vector<16xi32>
    %add3A_59 = vector.broadcast %mul3A_52 : i32 to vector<16xi32>
    %add3A_60 = arith.addi %add3A_59, %mul3A_58 : vector<16xi32>
    %shift_right_arithmetic3A_61 = arith.constant 7 : i32
    %shift_right_arithmetic3A_62 = vector.broadcast %shift_right_arithmetic3A_61 : i32 to vector<16xi32>
    %shift_right_arithmetic3A_63 = arith.shrsi %get3A_46, %shift_right_arithmetic3A_62 : vector<16xi32>
    %mul3A_64 = arith.constant 1024 : i32
    %mul3A_65 = vector.broadcast %mul3A_64 : i32 to vector<16xi32>
    %mul3A_66 = arith.muli %shift_right_arithmetic3A_63, %mul3A_65 : vector<16xi32>
    %add3A_67 = arith.addi %add3A_60, %mul3A_66 : vector<16xi32>
    %and3A_68 = arith.constant 7 : i32
    %and3A_69 = vector.broadcast %and3A_68 : i32 to vector<16xi32>
    %and3A_70 = arith.andi %add3A_50, %and3A_69 : vector<16xi32>
    %mul3A_71 = arith.constant 128 : i32
    %mul3A_72 = vector.broadcast %mul3A_71 : i32 to vector<16xi32>
    %mul3A_73 = arith.muli %and3A_70, %mul3A_72 : vector<16xi32>
    %add3A_74 = arith.addi %add3A_67, %mul3A_73 : vector<16xi32>
    %and3A_75 = arith.constant 127 : i32
    %and3A_76 = vector.broadcast %and3A_75 : i32 to vector<16xi32>
    %and3A_77 = arith.andi %get3A_46, %and3A_76 : vector<16xi32>
    %add3A_78 = arith.addi %add3A_74, %and3A_77 : vector<16xi32>
    %swap3A_79 = arith.constant 16 : index
    %swap3A_80 = tpu.vector_load %arg6[%swap3A_79] {strides = array<i32>} : memref<128xi32, #tpu.memory_space<vmem>>, vector<16xi32>,
    %swap3A_81 = vector.shape_cast %swap3A_80 : vector<16xi32> to vector<16xi32>
    %swap3A_82 = vector.shape_cast %add3A_78 : vector<16xi32> to vector<16xi32>
    tpu.vector_store %arg6[%swap3A_79], %swap3A_82 {strides = array<i32>} : memref<128xi32, #tpu.memory_space<vmem>>, vector<16xi32>,
    %get3A_83 = arith.constant 32 : index
    %get3A_84 = tpu.vector_load %arg5[%get3A_83] {strides = array<i32>} : memref<128xi32, #tpu.memory_space<vmem>>, vector<16xi32>,
    %get3A_85 = vector.shape_cast %get3A_84 : vector<16xi32> to vector<16xi32>
    %add3A_86 = arith.constant 32 : i32
    %add3A_87 = arith.addi %mul3A_6, %add3A_86 : i32
    %add3A_88 = vector.broadcast %add3A_87 : i32 to vector<16xi32>
    %add3A_89 = arith.addi %add3A_88, %iota3A : vector<16xi32>
    %mul3A_90 = arith.constant 16384000 : i32
    %mul3A_91 = arith.muli %and3A_3, %mul3A_90 : i32
    %shift_right_arithmetic3A_92 = arith.constant 3 : i32
    %shift_right_arithmetic3A_93 = vector.broadcast %shift_right_arithmetic3A_92 : i32 to vector<16xi32>
    %shift_right_arithmetic3A_94 = arith.shrsi %add3A_89, %shift_right_arithmetic3A_93 : vector<16xi32>
    %mul3A_95 = arith.constant 256000 : i32
    %mul3A_96 = vector.broadcast %mul3A_95 : i32 to vector<16xi32>
    %mul3A_97 = arith.muli %shift_right_arithmetic3A_94, %mul3A_96 : vector<16xi32>
    %add3A_98 = vector.broadcast %mul3A_91 : i32 to vector<16xi32>
    %add3A_99 = arith.addi %add3A_98, %mul3A_97 : vector<16xi32>
    %shift_right_arithmetic3A_100 = arith.constant 7 : i32
    %shift_right_arithmetic3A_101 = vector.broadcast %shift_right_arithmetic3A_100 : i32 to vector<16xi32>
    %shift_right_arithmetic3A_102 = arith.shrsi %get3A_85, %shift_right_arithmetic3A_101 : vector<16xi32>
    %mul3A_103 = arith.constant 1024 : i32
    %mul3A_104 = vector.broadcast %mul3A_103 : i32 to vector<16xi32>
    %mul3A_105 = arith.muli %shift_right_arithmetic3A_102, %mul3A_104 : vector<16xi32>
    %add3A_106 = arith.addi %add3A_99, %mul3A_105 : vector<16xi32>
    %and3A_107 = arith.constant 7 : i32
    %and3A_108 = vector.broadcast %and3A_107 : i32 to vector<16xi32>
    %and3A_109 = arith.andi %add3A_89, %and3A_108 : vector<16xi32>
    %mul3A_110 = arith.constant 128 : i32
    %mul3A_111 = vector.broadcast %mul3A_110 : i32 to vector<16xi32>
    %mul3A_112 = arith.muli %and3A_109, %mul3A_111 : vector<16xi32>
    %add3A_113 = arith.addi %add3A_106, %mul3A_112 : vector<16xi32>
    %and3A_114 = arith.constant 127 : i32
    %and3A_115 = vector.broadcast %and3A_114 : i32 to vector<16xi32>
    %and3A_116 = arith.andi %get3A_85, %and3A_115 : vector<16xi32>
    %add3A_117 = arith.addi %add3A_113, %and3A_116 : vector<16xi32>
    %swap3A_118 = arith.constant 32 : index
    %swap3A_119 = tpu.vector_load %arg6[%swap3A_118] {strides = array<i32>} : memref<128xi32, #tpu.memory_space<vmem>>, vector<16xi32>,
    %swap3A_120 = vector.shape_cast %swap3A_119 : vector<16xi32> to vector<16xi32>
    %swap3A_121 = vector.shape_cast %add3A_117 : vector<16xi32> to vector<16xi32>
    tpu.vector_store %arg6[%swap3A_118], %swap3A_121 {strides = array<i32>} : memref<128xi32, #tpu.memory_space<vmem>>, vector<16xi32>,
    %get3A_122 = arith.constant 48 : index
    %get3A_123 = tpu.vector_load %arg5[%get3A_122] {strides = array<i32>} : memref<128xi32, #tpu.memory_space<vmem>>, vector<16xi32>,
    %get3A_124 = vector.shape_cast %get3A_123 : vector<16xi32> to vector<16xi32>
    %add3A_125 = arith.constant 48 : i32
    %add3A_126 = arith.addi %mul3A_6, %add3A_125 : i32
    %add3A_127 = vector.broadcast %add3A_126 : i32 to vector<16xi32>
    %add3A_128 = arith.addi %add3A_127, %iota3A : vector<16xi32>
    %mul3A_129 = arith.constant 16384000 : i32
    %mul3A_130 = arith.muli %and3A_3, %mul3A_129 : i32
    %shift_right_arithmetic3A_131 = arith.constant 3 : i32
    %shift_right_arithmetic3A_132 = vector.broadcast %shift_right_arithmetic3A_131 : i32 to vector<16xi32>
    %shift_right_arithmetic3A_133 = arith.shrsi %add3A_128, %shift_right_arithmetic3A_132 : vector<16xi32>
    %mul3A_134 = arith.constant 256000 : i32
    %mul3A_135 = vector.broadcast %mul3A_134 : i32 to vector<16xi32>
    %mul3A_136 = arith.muli %shift_right_arithmetic3A_133, %mul3A_135 : vector<16xi32>
    %add3A_137 = vector.broadcast %mul3A_130 : i32 to vector<16xi32>
    %add3A_138 = arith.addi %add3A_137, %mul3A_136 : vector<16xi32>
    %shift_right_arithmetic3A_139 = arith.constant 7 : i32
    %shift_right_arithmetic3A_140 = vector.broadcast %shift_right_arithmetic3A_139 : i32 to vector<16xi32>
    %shift_right_arithmetic3A_141 = arith.shrsi %get3A_124, %shift_right_arithmetic3A_140 : vector<16xi32>
    %mul3A_142 = arith.constant 1024 : i32
    %mul3A_143 = vector.broadcast %mul3A_142 : i32 to vector<16xi32>
    %mul3A_144 = arith.muli %shift_right_arithmetic3A_141, %mul3A_143 : vector<16xi32>
    %add3A_145 = arith.addi %add3A_138, %mul3A_144 : vector<16xi32>
    %and3A_146 = arith.constant 7 : i32
    %and3A_147 = vector.broadcast %and3A_146 : i32 to vector<16xi32>
    %and3A_148 = arith.andi %add3A_128, %and3A_147 : vector<16xi32>
    %mul3A_149 = arith.constant 128 : i32
    %mul3A_150 = vector.broadcast %mul3A_149 : i32 to vector<16xi32>
    %mul3A_151 = arith.muli %and3A_148, %mul3A_150 : vector<16xi32>
    %add3A_152 = arith.addi %add3A_145, %mul3A_151 : vector<16xi32>
    %and3A_153 = arith.constant 127 : i32
    %and3A_154 = vector.broadcast %and3A_153 : i32 to vector<16xi32>
    %and3A_155 = arith.andi %get3A_124, %and3A_154 : vector<16xi32>
    %add3A_156 = arith.addi %add3A_152, %and3A_155 : vector<16xi32>
    %swap3A_157 = arith.constant 48 : index
    %swap3A_158 = tpu.vector_load %arg6[%swap3A_157] {strides = array<i32>} : memref<128xi32, #tpu.memory_space<vmem>>, vector<16xi32>,
    %swap3A_159 = vector.shape_cast %swap3A_158 : vector<16xi32> to vector<16xi32>
    %swap3A_160 = vector.shape_cast %add3A_156 : vector<16xi32> to vector<16xi32>
    tpu.vector_store %arg6[%swap3A_157], %swap3A_160 {strides = array<i32>} : memref<128xi32, #tpu.memory_space<vmem>>, vector<16xi32>,
    %get3A_161 = arith.constant 64 : index
    %get3A_162 = tpu.vector_load %arg5[%get3A_161] {strides = array<i32>} : memref<128xi32, #tpu.memory_space<vmem>>, vector<16xi32>,
    %get3A_163 = vector.shape_cast %get3A_162 : vector<16xi32> to vector<16xi32>
    %add3A_164 = arith.constant 64 : i32
    %add3A_165 = arith.addi %mul3A_6, %add3A_164 : i32
    %add3A_166 = vector.broadcast %add3A_165 : i32 to vector<16xi32>
    %add3A_167 = arith.addi %add3A_166, %iota3A : vector<16xi32>
    %mul3A_168 = arith.constant 16384000 : i32
    %mul3A_169 = arith.muli %and3A_3, %mul3A_168 : i32
    %shift_right_arithmetic3A_170 = arith.constant 3 : i32
    %shift_right_arithmetic3A_171 = vector.broadcast %shift_right_arithmetic3A_170 : i32 to vector<16xi32>
    %shift_right_arithmetic3A_172 = arith.shrsi %add3A_167, %shift_right_arithmetic3A_171 : vector<16xi32>
    %mul3A_173 = arith.constant 256000 : i32
    %mul3A_174 = vector.broadcast %mul3A_173 : i32 to vector<16xi32>
    %mul3A_175 = arith.muli %shift_right_arithmetic3A_172, %mul3A_174 : vector<16xi32>
    %add3A_176 = vector.broadcast %mul3A_169 : i32 to vector<16xi32>
    %add3A_177 = arith.addi %add3A_176, %mul3A_175 : vector<16xi32>
    %shift_right_arithmetic3A_178 = arith.constant 7 : i32
    %shift_right_arithmetic3A_179 = vector.broadcast %shift_right_arithmetic3A_178 : i32 to vector<16xi32>
    %shift_right_arithmetic3A_180 = arith.shrsi %get3A_163, %shift_right_arithmetic3A_179 : vector<16xi32>
    %mul3A_181 = arith.constant 1024 : i32
    %mul3A_182 = vector.broadcast %mul3A_181 : i32 to vector<16xi32>
    %mul3A_183 = arith.muli %shift_right_arithmetic3A_180, %mul3A_182 : vector<16xi32>
    %add3A_184 = arith.addi %add3A_177, %mul3A_183 : vector<16xi32>
    %and3A_185 = arith.constant 7 : i32
    %and3A_186 = vector.broadcast %and3A_185 : i32 to vector<16xi32>
    %and3A_187 = arith.andi %add3A_167, %and3A_186 : vector<16xi32>
    %mul3A_188 = arith.constant 128 : i32
    %mul3A_189 = vector.broadcast %mul3A_188 : i32 to vector<16xi32>
    %mul3A_190 = arith.muli %and3A_187, %mul3A_189 : vector<16xi32>
    %add3A_191 = arith.addi %add3A_184, %mul3A_190 : vector<16xi32>
    %and3A_192 = arith.constant 127 : i32
    %and3A_193 = vector.broadcast %and3A_192 : i32 to vector<16xi32>
    %and3A_194 = arith.andi %get3A_163, %and3A_193 : vector<16xi32>
    %add3A_195 = arith.addi %add3A_191, %and3A_194 : vector<16xi32>
    %swap3A_196 = arith.constant 64 : index
    %swap3A_197 = tpu.vector_load %arg6[%swap3A_196] {strides = array<i32>} : memref<128xi32, #tpu.memory_space<vmem>>, vector<16xi32>,
    %swap3A_198 = vector.shape_cast %swap3A_197 : vector<16xi32> to vector<16xi32>
    %swap3A_199 = vector.shape_cast %add3A_195 : vector<16xi32> to vector<16xi32>
    tpu.vector_store %arg6[%swap3A_196], %swap3A_199 {strides = array<i32>} : memref<128xi32, #tpu.memory_space<vmem>>, vector<16xi32>,
    %get3A_200 = arith.constant 80 : index
    %get3A_201 = tpu.vector_load %arg5[%get3A_200] {strides = array<i32>} : memref<128xi32, #tpu.memory_space<vmem>>, vector<16xi32>,
    %get3A_202 = vector.shape_cast %get3A_201 : vector<16xi32> to vector<16xi32>
    %add3A_203 = arith.constant 80 : i32
    %add3A_204 = arith.addi %mul3A_6, %add3A_203 : i32
    %add3A_205 = vector.broadcast %add3A_204 : i32 to vector<16xi32>
    %add3A_206 = arith.addi %add3A_205, %iota3A : vector<16xi32>
    %mul3A_207 = arith.constant 16384000 : i32
    %mul3A_208 = arith.muli %and3A_3, %mul3A_207 : i32
    %shift_right_arithmetic3A_209 = arith.constant 3 : i32
    %shift_right_arithmetic3A_210 = vector.broadcast %shift_right_arithmetic3A_209 : i32 to vector<16xi32>
    %shift_right_arithmetic3A_211 = arith.shrsi %add3A_206, %shift_right_arithmetic3A_210 : vector<16xi32>
    %mul3A_212 = arith.constant 256000 : i32
    %mul3A_213 = vector.broadcast %mul3A_212 : i32 to vector<16xi32>
    %mul3A_214 = arith.muli %shift_right_arithmetic3A_211, %mul3A_213 : vector<16xi32>
    %add3A_215 = vector.broadcast %mul3A_208 : i32 to vector<16xi32>
    %add3A_216 = arith.addi %add3A_215, %mul3A_214 : vector<16xi32>
    %shift_right_arithmetic3A_217 = arith.constant 7 : i32
    %shift_right_arithmetic3A_218 = vector.broadcast %shift_right_arithmetic3A_217 : i32 to vector<16xi32>
    %shift_right_arithmetic3A_219 = arith.shrsi %get3A_202, %shift_right_arithmetic3A_218 : vector<16xi32>
    %mul3A_220 = arith.constant 1024 : i32
    %mul3A_221 = vector.broadcast %mul3A_220 : i32 to vector<16xi32>
    %mul3A_222 = arith.muli %shift_right_arithmetic3A_219, %mul3A_221 : vector<16xi32>
    %add3A_223 = arith.addi %add3A_216, %mul3A_222 : vector<16xi32>
    %and3A_224 = arith.constant 7 : i32
    %and3A_225 = vector.broadcast %and3A_224 : i32 to vector<16xi32>
    %and3A_226 = arith.andi %add3A_206, %and3A_225 : vector<16xi32>
    %mul3A_227 = arith.constant 128 : i32
    %mul3A_228 = vector.broadcast %mul3A_227 : i32 to vector<16xi32>
    %mul3A_229 = arith.muli %and3A_226, %mul3A_228 : vector<16xi32>
    %add3A_230 = arith.addi %add3A_223, %mul3A_229 : vector<16xi32>
    %and3A_231 = arith.constant 127 : i32
    %and3A_232 = vector.broadcast %and3A_231 : i32 to vector<16xi32>
    %and3A_233 = arith.andi %get3A_202, %and3A_232 : vector<16xi32>
    %add3A_234 = arith.addi %add3A_230, %and3A_233 : vector<16xi32>
    %swap3A_235 = arith.constant 80 : index
    %swap3A_236 = tpu.vector_load %arg6[%swap3A_235] {strides = array<i32>} : memref<128xi32, #tpu.memory_space<vmem>>, vector<16xi32>,
    %swap3A_237 = vector.shape_cast %swap3A_236 : vector<16xi32> to vector<16xi32>
    %swap3A_238 = vector.shape_cast %add3A_234 : vector<16xi32> to vector<16xi32>
    tpu.vector_store %arg6[%swap3A_235], %swap3A_238 {strides = array<i32>} : memref<128xi32, #tpu.memory_space<vmem>>, vector<16xi32>,
    %get3A_239 = arith.constant 96 : index
    %get3A_240 = tpu.vector_load %arg5[%get3A_239] {strides = array<i32>} : memref<128xi32, #tpu.memory_space<vmem>>, vector<16xi32>,
    %get3A_241 = vector.shape_cast %get3A_240 : vector<16xi32> to vector<16xi32>
    %add3A_242 = arith.constant 96 : i32
    %add3A_243 = arith.addi %mul3A_6, %add3A_242 : i32
    %add3A_244 = vector.broadcast %add3A_243 : i32 to vector<16xi32>
    %add3A_245 = arith.addi %add3A_244, %iota3A : vector<16xi32>
    %mul3A_246 = arith.constant 16384000 : i32
    %mul3A_247 = arith.muli %and3A_3, %mul3A_246 : i32
    %shift_right_arithmetic3A_248 = arith.constant 3 : i32
    %shift_right_arithmetic3A_249 = vector.broadcast %shift_right_arithmetic3A_248 : i32 to vector<16xi32>
    %shift_right_arithmetic3A_250 = arith.shrsi %add3A_245, %shift_right_arithmetic3A_249 : vector<16xi32>
    %mul3A_251 = arith.constant 256000 : i32
    %mul3A_252 = vector.broadcast %mul3A_251 : i32 to vector<16xi32>
    %mul3A_253 = arith.muli %shift_right_arithmetic3A_250, %mul3A_252 : vector<16xi32>
    %add3A_254 = vector.broadcast %mul3A_247 : i32 to vector<16xi32>
    %add3A_255 = arith.addi %add3A_254, %mul3A_253 : vector<16xi32>
    %shift_right_arithmetic3A_256 = arith.constant 7 : i32
    %shift_right_arithmetic3A_257 = vector.broadcast %shift_right_arithmetic3A_256 : i32 to vector<16xi32>
    %shift_right_arithmetic3A_258 = arith.shrsi %get3A_241, %shift_right_arithmetic3A_257 : vector<16xi32>
    %mul3A_259 = arith.constant 1024 : i32
    %mul3A_260 = vector.broadcast %mul3A_259 : i32 to vector<16xi32>
    %mul3A_261 = arith.muli %shift_right_arithmetic3A_258, %mul3A_260 : vector<16xi32>
    %add3A_262 = arith.addi %add3A_255, %mul3A_261 : vector<16xi32>
    %and3A_263 = arith.constant 7 : i32
    %and3A_264 = vector.broadcast %and3A_263 : i32 to vector<16xi32>
    %and3A_265 = arith.andi %add3A_245, %and3A_264 : vector<16xi32>
    %mul3A_266 = arith.constant 128 : i32
    %mul3A_267 = vector.broadcast %mul3A_266 : i32 to vector<16xi32>
    %mul3A_268 = arith.muli %and3A_265, %mul3A_267 : vector<16xi32>
    %add3A_269 = arith.addi %add3A_262, %mul3A_268 : vector<16xi32>
    %and3A_270 = arith.constant 127 : i32
    %and3A_271 = vector.broadcast %and3A_270 : i32 to vector<16xi32>
    %and3A_272 = arith.andi %get3A_241, %and3A_271 : vector<16xi32>
    %add3A_273 = arith.addi %add3A_269, %and3A_272 : vector<16xi32>
    %swap3A_274 = arith.constant 96 : index
    %swap3A_275 = tpu.vector_load %arg6[%swap3A_274] {strides = array<i32>} : memref<128xi32, #tpu.memory_space<vmem>>, vector<16xi32>,
    %swap3A_276 = vector.shape_cast %swap3A_275 : vector<16xi32> to vector<16xi32>
    %swap3A_277 = vector.shape_cast %add3A_273 : vector<16xi32> to vector<16xi32>
    tpu.vector_store %arg6[%swap3A_274], %swap3A_277 {strides = array<i32>} : memref<128xi32, #tpu.memory_space<vmem>>, vector<16xi32>,
    %get3A_278 = arith.constant 112 : index
    %get3A_279 = tpu.vector_load %arg5[%get3A_278] {strides = array<i32>} : memref<128xi32, #tpu.memory_space<vmem>>, vector<16xi32>,
    %get3A_280 = vector.shape_cast %get3A_279 : vector<16xi32> to vector<16xi32>
    %add3A_281 = arith.constant 112 : i32
    %add3A_282 = arith.addi %mul3A_6, %add3A_281 : i32
    %add3A_283 = vector.broadcast %add3A_282 : i32 to vector<16xi32>
    %add3A_284 = arith.addi %add3A_283, %iota3A : vector<16xi32>
    %mul3A_285 = arith.constant 16384000 : i32
    %mul3A_286 = arith.muli %and3A_3, %mul3A_285 : i32
    %shift_right_arithmetic3A_287 = arith.constant 3 : i32
    %shift_right_arithmetic3A_288 = vector.broadcast %shift_right_arithmetic3A_287 : i32 to vector<16xi32>
    %shift_right_arithmetic3A_289 = arith.shrsi %add3A_284, %shift_right_arithmetic3A_288 : vector<16xi32>
    %mul3A_290 = arith.constant 256000 : i32
    %mul3A_291 = vector.broadcast %mul3A_290 : i32 to vector<16xi32>
    %mul3A_292 = arith.muli %shift_right_arithmetic3A_289, %mul3A_291 : vector<16xi32>
    %add3A_293 = vector.broadcast %mul3A_286 : i32 to vector<16xi32>
    %add3A_294 = arith.addi %add3A_293, %mul3A_292 : vector<16xi32>
    %shift_right_arithmetic3A_295 = arith.constant 7 : i32
    %shift_right_arithmetic3A_296 = vector.broadcast %shift_right_arithmetic3A_295 : i32 to vector<16xi32>
    %shift_right_arithmetic3A_297 = arith.shrsi %get3A_280, %shift_right_arithmetic3A_296 : vector<16xi32>
    %mul3A_298 = arith.constant 1024 : i32
    %mul3A_299 = vector.broadcast %mul3A_298 : i32 to vector<16xi32>
    %mul3A_300 = arith.muli %shift_right_arithmetic3A_297, %mul3A_299 : vector<16xi32>
    %add3A_301 = arith.addi %add3A_294, %mul3A_300 : vector<16xi32>
    %and3A_302 = arith.constant 7 : i32
    %and3A_303 = vector.broadcast %and3A_302 : i32 to vector<16xi32>
    %and3A_304 = arith.andi %add3A_284, %and3A_303 : vector<16xi32>
    %mul3A_305 = arith.constant 128 : i32
    %mul3A_306 = vector.broadcast %mul3A_305 : i32 to vector<16xi32>
    %mul3A_307 = arith.muli %and3A_304, %mul3A_306 : vector<16xi32>
    %add3A_308 = arith.addi %add3A_301, %mul3A_307 : vector<16xi32>
    %and3A_309 = arith.constant 127 : i32
    %and3A_310 = vector.broadcast %and3A_309 : i32 to vector<16xi32>
    %and3A_311 = arith.andi %get3A_280, %and3A_310 : vector<16xi32>
    %add3A_312 = arith.addi %add3A_308, %and3A_311 : vector<16xi32>
    %swap3A_313 = arith.constant 112 : index
    %swap3A_314 = tpu.vector_load %arg6[%swap3A_313] {strides = array<i32>} : memref<128xi32, #tpu.memory_space<vmem>>, vector<16xi32>,
    %swap3A_315 = vector.shape_cast %swap3A_314 : vector<16xi32> to vector<16xi32>
    %swap3A_316 = vector.shape_cast %add3A_312 : vector<16xi32> to vector<16xi32>
    tpu.vector_store %arg6[%swap3A_313], %swap3A_316 {strides = array<i32>} : memref<128xi32, #tpu.memory_space<vmem>>, vector<16xi32>,
    %dma_start3A = arith.constant 0 : i32
    %dma_start3A_317 = tpu.memref_slice %arg2[%dma_start3A] : memref<131072000xf32, #tpu.memory_space<hbm>> -> memref<131072000xf32, #tpu.memory_space<hbm>>
    tpu.enqueue_indirect_dma source(%dma_start3A_317 : memref<131072000xf32, #tpu.memory_space<hbm>>) target(%arg7 : memref<128xf32, #tpu.memory_space<vmem>>) offsets(%arg6 : memref<128xi32, #tpu.memory_space<vmem>>) semaphore(%arg9 : memref<!tpu.dma_semaphore, #tpu.memory_space<semaphore_mem>>)
    %dma_wait3A = arith.constant 0 : i32
    %dma_wait3A_318 = tpu.memref_slice %arg2[%dma_wait3A] : memref<131072000xf32, #tpu.memory_space<hbm>> -> memref<131072000xf32, #tpu.memory_space<hbm>>
    tpu.wait_indirect_dma semaphore(%arg9 : memref<!tpu.dma_semaphore, #tpu.memory_space<semaphore_mem>>) src(%dma_wait3A_318 : memref<131072000xf32, #tpu.memory_space<hbm>>) dst(%arg7 : memref<128xf32, #tpu.memory_space<vmem>>)
    %broadcast_in_dim3A = arith.constant 0.000000e+00 : f32
    %broadcast_in_dim3A_319 = vector.broadcast %broadcast_in_dim3A : f32 to vector<16xf32>
    %get3A_320 = arith.constant 0 : index
    %get3A_321 = tpu.vector_load %arg5[%get3A_320] {strides = array<i32>} : memref<128xi32, #tpu.memory_space<vmem>>, vector<16xi32>,
    %get3A_322 = vector.shape_cast %get3A_321 : vector<16xi32> to vector<16xi32>
    %get3A_323 = arith.constant 0 : index
    %get3A_324 = tpu.vector_load %arg7[%get3A_323] {strides = array<i32>} : memref<128xf32, #tpu.memory_space<vmem>>, vector<16xf32>,
    %get3A_325 = vector.shape_cast %get3A_324 : vector<16xf32> to vector<16xf32>
    %ne3A = arith.constant 0 : i32
    %ne3A_326 = vector.broadcast %ne3A : i32 to vector<16xi32>
    %ne3A_327 = arith.cmpi ne, %get3A_322, %ne3A_326 : vector<16xi32>
    %jit3A = arith.constant 0.000000e+00 : f32
    %broadcast_in_dim3A_328 = vector.broadcast %jit3A : f32 to vector<16xf32>
    %select_n3A = arith.select %ne3A_327, %get3A_325, %broadcast_in_dim3A_328 : vector<16xi1>, vector<16xf32>
    %add3A_329 = arith.addf %broadcast_in_dim3A_319, %select_n3A : vector<16xf32>
    %get3A_330 = arith.constant 16 : index
    %get3A_331 = tpu.vector_load %arg5[%get3A_330] {strides = array<i32>} : memref<128xi32, #tpu.memory_space<vmem>>, vector<16xi32>,
    %get3A_332 = vector.shape_cast %get3A_331 : vector<16xi32> to vector<16xi32>
    %get3A_333 = arith.constant 16 : index
    %get3A_334 = tpu.vector_load %arg7[%get3A_333] {strides = array<i32>} : memref<128xf32, #tpu.memory_space<vmem>>, vector<16xf32>,
    %get3A_335 = vector.shape_cast %get3A_334 : vector<16xf32> to vector<16xf32>
    %ne3A_336 = arith.constant 0 : i32
    %ne3A_337 = vector.broadcast %ne3A_336 : i32 to vector<16xi32>
    %ne3A_338 = arith.cmpi ne, %get3A_332, %ne3A_337 : vector<16xi32>
    %jit3A_339 = arith.constant 0.000000e+00 : f32
    %broadcast_in_dim3A_340 = vector.broadcast %jit3A_339 : f32 to vector<16xf32>
    %select_n3A_341 = arith.select %ne3A_338, %get3A_335, %broadcast_in_dim3A_340 : vector<16xi1>, vector<16xf32>
    %add3A_342 = arith.addf %add3A_329, %select_n3A_341 : vector<16xf32>
    %get3A_343 = arith.constant 32 : index
    %get3A_344 = tpu.vector_load %arg5[%get3A_343] {strides = array<i32>} : memref<128xi32, #tpu.memory_space<vmem>>, vector<16xi32>,
    %get3A_345 = vector.shape_cast %get3A_344 : vector<16xi32> to vector<16xi32>
    %get3A_346 = arith.constant 32 : index
    %get3A_347 = tpu.vector_load %arg7[%get3A_346] {strides = array<i32>} : memref<128xf32, #tpu.memory_space<vmem>>, vector<16xf32>,
    %get3A_348 = vector.shape_cast %get3A_347 : vector<16xf32> to vector<16xf32>
    %ne3A_349 = arith.constant 0 : i32
    %ne3A_350 = vector.broadcast %ne3A_349 : i32 to vector<16xi32>
    %ne3A_351 = arith.cmpi ne, %get3A_345, %ne3A_350 : vector<16xi32>
    %jit3A_352 = arith.constant 0.000000e+00 : f32
    %broadcast_in_dim3A_353 = vector.broadcast %jit3A_352 : f32 to vector<16xf32>
    %select_n3A_354 = arith.select %ne3A_351, %get3A_348, %broadcast_in_dim3A_353 : vector<16xi1>, vector<16xf32>
    %add3A_355 = arith.addf %add3A_342, %select_n3A_354 : vector<16xf32>
    %get3A_356 = arith.constant 48 : index
    %get3A_357 = tpu.vector_load %arg5[%get3A_356] {strides = array<i32>} : memref<128xi32, #tpu.memory_space<vmem>>, vector<16xi32>,
    %get3A_358 = vector.shape_cast %get3A_357 : vector<16xi32> to vector<16xi32>
    %get3A_359 = arith.constant 48 : index
    %get3A_360 = tpu.vector_load %arg7[%get3A_359] {strides = array<i32>} : memref<128xf32, #tpu.memory_space<vmem>>, vector<16xf32>,
    %get3A_361 = vector.shape_cast %get3A_360 : vector<16xf32> to vector<16xf32>
    %ne3A_362 = arith.constant 0 : i32
    %ne3A_363 = vector.broadcast %ne3A_362 : i32 to vector<16xi32>
    %ne3A_364 = arith.cmpi ne, %get3A_358, %ne3A_363 : vector<16xi32>
    %jit3A_365 = arith.constant 0.000000e+00 : f32
    %broadcast_in_dim3A_366 = vector.broadcast %jit3A_365 : f32 to vector<16xf32>
    %select_n3A_367 = arith.select %ne3A_364, %get3A_361, %broadcast_in_dim3A_366 : vector<16xi1>, vector<16xf32>
    %add3A_368 = arith.addf %add3A_355, %select_n3A_367 : vector<16xf32>
    %get3A_369 = arith.constant 64 : index
    %get3A_370 = tpu.vector_load %arg5[%get3A_369] {strides = array<i32>} : memref<128xi32, #tpu.memory_space<vmem>>, vector<16xi32>,
    %get3A_371 = vector.shape_cast %get3A_370 : vector<16xi32> to vector<16xi32>
    %get3A_372 = arith.constant 64 : index
    %get3A_373 = tpu.vector_load %arg7[%get3A_372] {strides = array<i32>} : memref<128xf32, #tpu.memory_space<vmem>>, vector<16xf32>,
    %get3A_374 = vector.shape_cast %get3A_373 : vector<16xf32> to vector<16xf32>
    %ne3A_375 = arith.constant 0 : i32
    %ne3A_376 = vector.broadcast %ne3A_375 : i32 to vector<16xi32>
    %ne3A_377 = arith.cmpi ne, %get3A_371, %ne3A_376 : vector<16xi32>
    %jit3A_378 = arith.constant 0.000000e+00 : f32
    %broadcast_in_dim3A_379 = vector.broadcast %jit3A_378 : f32 to vector<16xf32>
    %select_n3A_380 = arith.select %ne3A_377, %get3A_374, %broadcast_in_dim3A_379 : vector<16xi1>, vector<16xf32>
    %add3A_381 = arith.addf %add3A_368, %select_n3A_380 : vector<16xf32>
    %get3A_382 = arith.constant 80 : index
    %get3A_383 = tpu.vector_load %arg5[%get3A_382] {strides = array<i32>} : memref<128xi32, #tpu.memory_space<vmem>>, vector<16xi32>,
    %get3A_384 = vector.shape_cast %get3A_383 : vector<16xi32> to vector<16xi32>
    %get3A_385 = arith.constant 80 : index
    %get3A_386 = tpu.vector_load %arg7[%get3A_385] {strides = array<i32>} : memref<128xf32, #tpu.memory_space<vmem>>, vector<16xf32>,
    %get3A_387 = vector.shape_cast %get3A_386 : vector<16xf32> to vector<16xf32>
    %ne3A_388 = arith.constant 0 : i32
    %ne3A_389 = vector.broadcast %ne3A_388 : i32 to vector<16xi32>
    %ne3A_390 = arith.cmpi ne, %get3A_384, %ne3A_389 : vector<16xi32>
    %jit3A_391 = arith.constant 0.000000e+00 : f32
    %broadcast_in_dim3A_392 = vector.broadcast %jit3A_391 : f32 to vector<16xf32>
    %select_n3A_393 = arith.select %ne3A_390, %get3A_387, %broadcast_in_dim3A_392 : vector<16xi1>, vector<16xf32>
    %add3A_394 = arith.addf %add3A_381, %select_n3A_393 : vector<16xf32>
    %get3A_395 = arith.constant 96 : index
    %get3A_396 = tpu.vector_load %arg5[%get3A_395] {strides = array<i32>} : memref<128xi32, #tpu.memory_space<vmem>>, vector<16xi32>,
    %get3A_397 = vector.shape_cast %get3A_396 : vector<16xi32> to vector<16xi32>
    %get3A_398 = arith.constant 96 : index
    %get3A_399 = tpu.vector_load %arg7[%get3A_398] {strides = array<i32>} : memref<128xf32, #tpu.memory_space<vmem>>, vector<16xf32>,
    %get3A_400 = vector.shape_cast %get3A_399 : vector<16xf32> to vector<16xf32>
    %ne3A_401 = arith.constant 0 : i32
    %ne3A_402 = vector.broadcast %ne3A_401 : i32 to vector<16xi32>
    %ne3A_403 = arith.cmpi ne, %get3A_397, %ne3A_402 : vector<16xi32>
    %jit3A_404 = arith.constant 0.000000e+00 : f32
    %broadcast_in_dim3A_405 = vector.broadcast %jit3A_404 : f32 to vector<16xf32>
    %select_n3A_406 = arith.select %ne3A_403, %get3A_400, %broadcast_in_dim3A_405 : vector<16xi1>, vector<16xf32>
    %add3A_407 = arith.addf %add3A_394, %select_n3A_406 : vector<16xf32>
    %get3A_408 = arith.constant 112 : index
    %get3A_409 = tpu.vector_load %arg5[%get3A_408] {strides = array<i32>} : memref<128xi32, #tpu.memory_space<vmem>>, vector<16xi32>,
    %get3A_410 = vector.shape_cast %get3A_409 : vector<16xi32> to vector<16xi32>
    %get3A_411 = arith.constant 112 : index
    %get3A_412 = tpu.vector_load %arg7[%get3A_411] {strides = array<i32>} : memref<128xf32, #tpu.memory_space<vmem>>, vector<16xf32>,
    %get3A_413 = vector.shape_cast %get3A_412 : vector<16xf32> to vector<16xf32>
    %ne3A_414 = arith.constant 0 : i32
    %ne3A_415 = vector.broadcast %ne3A_414 : i32 to vector<16xi32>
    %ne3A_416 = arith.cmpi ne, %get3A_410, %ne3A_415 : vector<16xi32>
    %jit3A_417 = arith.constant 0.000000e+00 : f32
    %broadcast_in_dim3A_418 = vector.broadcast %jit3A_417 : f32 to vector<16xf32>
    %select_n3A_419 = arith.select %ne3A_416, %get3A_413, %broadcast_in_dim3A_418 : vector<16xi1>, vector<16xf32>
    %add3A_420 = arith.addf %add3A_407, %select_n3A_419 : vector<16xf32>
    %swap3A_421 = arith.constant 0 : index
    %swap3A_422 = tpu.vector_load %arg8[%swap3A_421] {strides = array<i32>} : memref<16xf32, #tpu.memory_space<vmem>>, vector<16xf32>,
    %swap3A_423 = vector.shape_cast %swap3A_422 : vector<16xf32> to vector<16xf32>
    %swap3A_424 = vector.shape_cast %add3A_420 : vector<16xf32> to vector<16xf32>
    tpu.vector_store %arg8[%swap3A_421], %swap3A_424 {strides = array<i32>} : memref<16xf32, #tpu.memory_space<vmem>>, vector<16xf32>,
    %mul3A_425 = arith.constant 4 : i32
    %mul3A_426 = arith.muli %and3A_3, %mul3A_425 : i32
    %shift_right_arithmetic3A_427 = arith.constant 3 : i32
    %shift_right_arithmetic3A_428 = arith.shrsi %add3A, %shift_right_arithmetic3A_427 : i32
    %add3A_429 = arith.addi %mul3A_426, %shift_right_arithmetic3A_428 : i32
    "tpu.region"() ({
      %run_scoped3A = tpu.sem_alloc : memref<!tpu.dma_semaphore, #tpu.memory_space<semaphore_mem>>
      %dma_start3A_430 = arith.constant 0 : i32
      %dma_start3A_431 = tpu.memref_slice %arg4[%add3A_429, %dma_start3A_430] : memref<32x16xf32, #tpu.memory_space<hbm>> -> memref<1x16xf32, #tpu.memory_space<hbm>>
      %dma_start3A_432 = tpu.memref_squeeze %dma_start3A_431 : memref<1x16xf32, #tpu.memory_space<hbm>> -> memref<16xf32, #tpu.memory_space<hbm>>
      %dma_start3A_433 = arith.constant 0 : i32
      %dma_start3A_434 = tpu.memref_slice %arg4[%add3A_429, %dma_start3A_433] : memref<32x16xf32, #tpu.memory_space<hbm>> -> memref<1x16xf32, #tpu.memory_space<hbm>>
      %dma_start3A_435 = tpu.memref_squeeze %dma_start3A_434 : memref<1x16xf32, #tpu.memory_space<hbm>> -> memref<16xf32, #tpu.memory_space<hbm>>
      tpu.enqueue_dma source(%arg8 : memref<16xf32, #tpu.memory_space<vmem>>) target(%dma_start3A_435 : memref<16xf32, #tpu.memory_space<hbm>>) target_semaphore(%run_scoped3A : memref<!tpu.dma_semaphore, #tpu.memory_space<semaphore_mem>>)
      %dma_wait3A_436 = arith.constant 0 : i32
      %dma_wait3A_437 = tpu.memref_slice %arg4[%add3A_429, %dma_wait3A_436] : memref<32x16xf32, #tpu.memory_space<hbm>> -> memref<1x16xf32, #tpu.memory_space<hbm>>
      %dma_wait3A_438 = tpu.memref_squeeze %dma_wait3A_437 : memref<1x16xf32, #tpu.memory_space<hbm>> -> memref<16xf32, #tpu.memory_space<hbm>>
      %dma_wait3A_439 = arith.constant 0 : i32
      %dma_wait3A_440 = tpu.memref_slice %arg4[%add3A_429, %dma_wait3A_439] : memref<32x16xf32, #tpu.memory_space<hbm>> -> memref<1x16xf32, #tpu.memory_space<hbm>>
      %dma_wait3A_441 = tpu.memref_squeeze %dma_wait3A_440 : memref<1x16xf32, #tpu.memory_space<hbm>> -> memref<16xf32, #tpu.memory_space<hbm>>
      tpu.wait_dma2 semaphore(%run_scoped3A : memref<!tpu.dma_semaphore, #tpu.memory_space<semaphore_mem>>) src(%arg8 : memref<16xf32, #tpu.memory_space<vmem>>) dst(%dma_wait3A_441 : memref<16xf32, #tpu.memory_space<hbm>>)
      tpu.yield
    }) : () -> ()
    return
  }
}

module attributes {stable_mosaic.version = 14 : i64} {
  func.func @_tc_reduce_body(%arg0: memref<32x16xf32, #tpu.memory_space<vmem>>, %arg1: memref<8x1xf32, #tpu.memory_space<vmem>>, %arg2: memref<1x1xf32, #tpu.memory_space<smem>>) attributes {dimension_semantics = [], scalar_prefetch = 0 : i64, scratch_operands = 0 : i64, tpu.core_type = #tpu.core_type<tc>} {
    %get3A = arith.constant 0 : index
    %get3A_0 = arith.constant 0 : index
    %get3A_1 = vector.load %arg1[%get3A, %get3A_0] : memref<8x1xf32, #tpu.memory_space<vmem>>, vector<8x1xf32>
    %broadcast_in_dim3A = vector.shape_cast %get3A_1 : vector<8x1xf32> to vector<8x1x1xf32>
    %broadcast_in_dim3A_2 = vector.broadcast %broadcast_in_dim3A : vector<8x1x1xf32> to vector<8x4x1xf32>
    %reshape3A = vector.shape_cast %broadcast_in_dim3A_2 : vector<8x4x1xf32> to vector<32x1xf32>
    %get3A_3 = arith.constant 0 : index
    %get3A_4 = arith.constant 0 : index
    %get3A_5 = vector.load %arg0[%get3A_3, %get3A_4] : memref<32x16xf32, #tpu.memory_space<vmem>>, vector<32x16xf32>
    %mul3A = vector.broadcast %reshape3A : vector<32x1xf32> to vector<32x16xf32>
    %mul3A_6 = arith.mulf %get3A_5, %mul3A : vector<32x16xf32>
    %reduce_sum3A = vector.shape_cast %mul3A_6 : vector<32x16xf32> to vector<1x32x16xf32>
    %reduce_sum3A_7 = arith.constant dense<0.000000e+00> : vector<1xf32>
    %reduce_sum3A_8 = vector.multi_reduction <add>, %reduce_sum3A, %reduce_sum3A_7 [1, 2] : vector<1x32x16xf32> to vector<1xf32>
    %reduce_sum3A_9 = vector.shape_cast %reduce_sum3A_8 : vector<1xf32> to vector<1x1x1xf32>
    %reduce_sum3A_10 = vector.extract %reduce_sum3A_9[0, 0, 0] : f32 from vector<1x1x1xf32>
    %neg3A = arith.constant 0.000000e+00 : f32
    %neg3A_11 = arith.subf %neg3A, %reduce_sum3A_10 : f32
    %swap3A = arith.constant 0 : index
    %swap3A_12 = arith.constant 0 : index
    %swap3A_13 = memref.load %arg2[%swap3A, %swap3A_12] : memref<1x1xf32, #tpu.memory_space<smem>>
    memref.store %neg3A_11, %arg2[%swap3A, %swap3A_12] : memref<1x1xf32, #tpu.memory_space<smem>>
    return
  }
}

</mosaic_0001>

<sc_bundles>
// kernel: kernel.4.cloned.1.call-start
scs
__scs_entry_jumppad:
0x0: {  	(pc) =	sbr.rel $0x88, $3  }
0x1: {  	(tag) =	ssettag $0x0;
	lr =	simm.s32 $0x1  }
0x2: {  	[smem:$0x3F9E] =	sst lr;
	_ =	strace $0xD0000000  }
0x3: {  	_ = 	snop  }
0x4: {  	_ = 	snop  }
0x5: {  	_ = 	snop  }
0x6: {  	_ = 	snop  }
0x7: {  	_ = 	snop  }
__scs_overlays_trampoline_lowered:
0x8: {  	[smem:$0x3FAD] =	sst s0  }
0x9: {  	[smem:$0x3FAE] =	sst s1  }
0xa: {  	[smem:$0x3FAF] =	sst s2  }
0xb: {  	[smem:$0x3FB0] =	sst s3  }
0xc: {  	[smem:$0x3FB1] =	sst s4  }
0xd: {  	[smem:$0x3FB2] =	sst s5  }
0xe: {  	[smem:$0x3FB3] =	sst s6  }
0xf: {  	[smem:$0x3FB4] =	sst s7  }
0x10: {  	[smem:$0x3FB5] =	sst s8  }
0x11: {  	[smem:$0x3FB6] =	sst s9;
	s0 =	simm.s32 @!p0 $0x0  }
0x12: {  	s1 =	sld [smem:$0x3F9C];
	s0 =	simm.s32 @p0 $0x1  }
0x13: {  	[smem:$0x3FB7] =	sst s0;
	s0 =	simm.s32 @!p1 $0x0  }
0x14: {  	s2 =	sld [smem:$0x3F9B];
	s0 =	simm.s32 @p1 $0x1  }
0x15: {  	[smem:$0x3FB8] =	sst s0;
	s0 =	simm.s32 @!p2 $0x0  }
0x16: {  	s3 =	sld [smem:$0x3FDB];
	s0 =	simm.s32 @p2 $0x1  }
0x17: {  	s4 =	simm.s32 $0x1BF5;
	[smem:$0x3FBA] =	sst s0  }
0x18: {  	s0 =	sld [smem:$0x3F9D];
	_ =	swait.ge [sflag:s4], $0x0  }
0x19: {  	s7 =	sld [smem:$0x3F9E]  }
0x1a: {  	s8 =	sadd.s32 $0xFFFFE003, lr  }
0x1b: {  	s9 =	sadd.s32 $0xFFFFFEF7, lr;
	s5 =	simm.s32 $0xFFFFFFFF;
	p2 =	slt.u32 s8, $0xFFFFF086  }
0x1c: {  	p1 =	slt.u32 s9, $0xF7A;
	s5 =	simm.s32 @!p2 $0x0  }
0x1d: {  	s5 =	simm.s32 @p1 $0x1;
	p0 =	seq.s32 s7, s2  }
0x1e: {  	s7 =	smul.u32 @!p0 $0xF7A, s2;
	p2 =	seq.s32 @!p0 s5, $0x0  }
0x1f: {  	s9 =	smul.u32 $0xF7A, s1;
	s8 =	simm.s32 @!p0 $0x1BF5;
	p2 =	por !p2, p0  }
0x20: {  	[sflag:s8] =	ssyncset.s32 @!p0 $0xFFFFF086;
	s6 =	sadd.s32 @!p0 s3, s7;
	s7 =	simm.s32 @!p0 $0x108  }
0x21: {  	s3 =	sadd.s32 s3, s9;
	s6 =	sadd.s32 @!p0 $0x88, s6;
	s7 =	simm.s32 @p2 $0x1082  }
0x22: {  	[simem:s7], [sflag:s8] =	dma.local @!p0 [hbm:s6], $0xF7A  }
0x23: {  	s9 =	sor.u32 $0xD0000000, s2;
	s6 =	simm.s32 $0x108;
	_ =	swait.ge @!p0 [sflag:s8], $0x0  }
0x24: {  	s3 =	sadd.s32 $0x88, s3;
	s6 =	simm.s32 @!p1 $0x1082;
	[sflag:s4] =	ssyncset.s32 $0xFFFFF086  }
0x25: {  	[simem:s6], [sflag:s4] =	dma.local [hbm:s3], $0xF7A  }
0x26: {  	[smem:$0x3F9E] =	sst s1;
	(tag) =	ssettag s2;
	_ =	strace s9  }
0x27: {  	s1 =	sld [smem:$0x3FAE]  }
0x28: {  	s2 =	sld [smem:$0x3FAF]  }
0x29: {  	s4 =	sld [smem:$0x3FB1]  }
0x2a: {  	p0 =	seq.s32 s5, $0x0;
	s5 =	sld [smem:$0x3FB2]  }
0x2b: {  	s6 =	sld [smem:$0x3FB3]  }
0x2c: {  	s7 =	sld [smem:$0x3FB4]  }
0x2d: {  	s3 =	simm.s32 $0x108;
	s8 =	sld [smem:$0x3FB5]  }
0x2e: {  	s3 =	simm.s32 @!p0 $0x1082;
	s9 =	sld [smem:$0x3FB6]  }
0x2f: {  	lr =	sadd.s32 s0, s3;
	s0 =	sld [smem:$0x3FAD]  }
0x30: {  	s3 =	sld [smem:$0x3FB0]  }
0x31: {  	[smem:$0x3FB9] =	sst s10  }
0x32: {  	s10 =	sld [smem:$0x3FB7];
	_ =	sdelay $0x3  }
0x33: {  	p0 =	seq.s32 s10, $0x1;
	s10 =	sld [smem:$0x3FB9];
	_ =	sdelay $0x3  }
0x34: {  	[smem:$0x3FB9] =	sst s10  }
0x35: {  	s10 =	sld [smem:$0x3FB8];
	_ =	sdelay $0x3  }
0x36: {  	p1 =	seq.s32 s10, $0x1;
	s10 =	sld [smem:$0x3FB9];
	_ =	sdelay $0x3  }
0x37: {  	[smem:$0x3FB9] =	sst s10  }
0x38: {  	s10 =	sld [smem:$0x3FBA]  }
0x39: {  	_ = 	snop;
	(pc) =	sbr.ind lr, $3  }
0x3a: {  	_ = 	snop  }
0x3b: {  	_ = 	snop  }
0x3c: {  	p2 =	seq.s32 s10, $0x1;
	s10 =	sld [smem:$0x3FB9]  }
0x3d: {  	_ =	shalt  }
0x3e: {  	_ =	shalt  }
0x3f: {  	_ =	shalt  }
0x40: {  	_ =	shalt  }
0x41: {  	_ =	shalt  }
0x42: {  	_ =	shalt  }
0x43: {  	_ =	shalt  }
0x44: {  	_ =	shalt  }
0x45: {  	_ =	shalt  }
0x46: {  	_ =	shalt  }
0x47: {  	_ =	shalt  }
0x48: {  	_ =	shalt  }
0x49: {  	_ =	shalt  }
0x4a: {  	_ =	shalt  }
0x4b: {  	_ =	shalt  }
0x4c: {  	_ =	shalt  }
0x4d: {  	_ =	shalt  }
0x4e: {  	_ =	shalt  }
0x4f: {  	_ =	shalt  }
0x50: {  	_ =	shalt  }
0x51: {  	_ =	shalt  }
0x52: {  	_ =	shalt  }
0x53: {  	_ =	shalt  }
0x54: {  	_ =	shalt  }
0x55: {  	_ =	shalt  }
0x56: {  	_ =	shalt  }
0x57: {  	_ =	shalt  }
0x58: {  	_ =	shalt  }
0x59: {  	_ =	shalt  }
0x5a: {  	_ =	shalt  }
0x5b: {  	_ =	shalt  }
0x5c: {  	_ =	shalt  }
0x5d: {  	_ =	shalt  }
0x5e: {  	_ =	shalt  }
0x5f: {  	_ =	shalt  }
0x60: {  	_ =	shalt  }
0x61: {  	_ =	shalt  }
0x62: {  	_ =	shalt  }
0x63: {  	_ =	shalt  }
0x64: {  	_ =	shalt  }
0x65: {  	_ =	shalt  }
0x66: {  	_ =	shalt  }
0x67: {  	_ =	shalt  }
0x68: {  	_ =	shalt  }
0x69: {  	_ =	shalt  }
0x6a: {  	_ =	shalt  }
0x6b: {  	_ =	shalt  }
0x6c: {  	_ =	shalt  }
0x6d: {  	_ =	shalt  }
0x6e: {  	_ =	shalt  }
0x6f: {  	_ =	shalt  }
0x70: {  	_ =	shalt  }
0x71: {  	_ =	shalt  }
0x72: {  	_ =	shalt  }
0x73: {  	_ =	shalt  }
0x74: {  	_ =	shalt  }
0x75: {  	_ =	shalt  }
0x76: {  	_ =	shalt  }
0x77: {  	_ =	shalt  }
0x78: {  	_ =	shalt  }
0x79: {  	_ =	shalt  }
0x7a: {  	_ =	shalt  }
0x7b: {  	_ =	shalt  }
0x7c: {  	_ =	shalt  }
0x7d: {  	_ =	shalt  }
0x7e: {  	_ =	shalt  }
0x7f: {  	_ =	shalt  }
0x80: {  	_ =	shalt  }
0x81: {  	_ =	shalt  }
0x82: {  	_ =	shalt  }
0x83: {  	_ =	shalt  }
0x84: {  	_ =	shalt  }
0x85: {  	_ =	shalt  }
0x86: {  	_ =	shalt  }
0x87: {  	_ =	shalt  }
.Lfunc_end0:
.L_simem_size_0:
called_computation_lowered:
.L_overlay_start_0:
0x88: {  	s2 =	sld [smem:$0x3FD9]  }
0x89: {  	s3 =	sld [smem:$0x3FFE];
	_ =	sdelay $0x1  }
0x8a: {  	s1 =	srdreg.scid  }
0x8b: {  	s0 =	sand.u32 $0x1, s1  }
0x8c: {  	s17 =	sshll.u32 s0, $0xA;
	s2 =	sadd.s32 s3, s2  }
0x8d: {  	s2 =	sadd.s32 s2, s17  }
0x8e: {  	[smem:$0x3FC5] =	sst s2  }
0x8f: {  	_ = 	snop  }
0x90: {  	s2 =	sld [smem:$0x3FC9]  }
0x91: {  	s18 =	sld [smem:$0x3FC8];
	(tm) =	ssettm $0x1  }
0x92: {  	s4 =	sld [smem:$0x3FFB];
	_ =	sdelay $0x3  }
0x93: {  	_ =	strace s4  }
0x94: {  	s4 =	sld [smem:$0x3FFC];
	_ =	sdelay $0x3  }
0x95: {  	_ =	strace s4  }
0x96: {  	s4 =	sld [smem:$0x3FFD];
	_ =	sdelay $0x3  }
0x97: {  	_ =	strace s4  }
0x98: {  	_ =	strace $0x8FFFFFFF  }
0x99: {  	s19 =	sld [smem:$0x3FDB];
	_ =	sdelay $0x1  }
0x9a: {  	s5 =	simm.s32 $_scs_section_size  }
0x9b: {  	s6 =	simm.s32 $_size__tile_overlayer_lowered;
	s7 =	simm.s32 $_tile_overlayer_lowered  }
0x9c: {  	s22 =	simm.s32 $0x1BFF;
	s21 =	sshll.u32 s7, $0x1;
	s4 =	sadd.s32 s5, s19  }
0x9d: {  	s8 =	simm.s32 $0x0;
	s20 =	sshll.u32 s6, $0x1;
	s6 =	sadd.s32 s21, s4  }
0x9e: {  	[timem:s8], [sflag:s22] =	dma.local [hbm:s6], s20  }
0x9f: {  	_ =	swait.ge [sflag:s22], s20  }
0xa0: {  	s5 =	ssub.s32 $0x0, s20;
	[sflag:s22] =	ssyncset.done $0x0  }
0xa1: {  	[sflag:s22] =	ssyncadd.s32 s5;
	_ =	sdelay $0x1  }
0xa2: {  	s23 =	simm.s32 $0x1B8B  }
0xa3: {  	_ =	swait.ge [sflag:s23], $0x1  }
0xa4: {  	[sflag:s23] =	ssyncset.done $0x0  }
0xa5: {  	s25 =	simm.s32 $0x1B8E;
	s24 =	sld [smem:$0x3FFE];
	[sflag:s23] =	ssyncadd.s32 $0xFFFFFFFF  }
0xa6: {  	s26 =	simm.s32 $execute0_lowered;
	[smem:$0x3FD2] =	sst s25  }
0xa7: {  	s6 =	sshll.u32 s26, $0x1;
	_ =	strace $0x80000046;
	[dreg:$0x1] =	wrdreg $0xFFFFFFFF  }
0xa8: {  	s28 =	simm.s32 $_size_execute0_lowered;
	s4 =	sadd.s32 s4, s6;
	[dreg:$0x0] =	wrdreg $0x0  }
0xa9: {  	s6 =	sshll.u32 s28, $0x1;
	[dreg:$0x2] =	wrdreg s4  }
0xaa: {  	[dreg:$0x3] =	wrdreg s6  }
0xab: {  	[dreg:$0x4] =	wrdreg $0xC0  }
0xac: {  	_ =	task [dreg:s8], $0x5FFFF  }
0xad: {  	[dreg:$0x1] =	wrdreg $0xFFFFFFFF  }
0xae: {  	[dreg:$0x0] =	wrdreg $0x60  }
0xaf: {  	[dreg:$0x2] =	wrdreg s2  }
0xb0: {  	[dreg:$0x3] =	wrdreg s18  }
0xb1: {  	[dreg:$0x4] =	wrdreg s24  }
0xb2: {  	[dreg:$0x5] =	wrdreg $0x9  }
0xb3: {  	_ =	task.clear_ibuf [dreg:s8], $0x6FFFF;
	_ =	strace $0x90000046  }
0xb4: {  	s29 =	simm.s32 $0x9;
	_ =	strace $0x80000048  }
0xb5: {  	_ =	swait.ge [sflag:s29], $0x1  }
0xb6: {  	[sflag:s29] =	ssyncadd.s32 $0xFFFFFFFF  }
0xb7: {  	_ =	strace $0x90000048  }
0xb8: {  	_ =	sfence  }
0xb9: {  	s30 =	sld [smem:$0x0];
	_ =	sdelay $0x2  }
0xba: {  	s31 =	sshll.u32 s1, $0xD;
	s1 =	sshrl.u32 s1, $0x2  }
0xbb: {  	s3 =	sand.u32 $0x4000, s31;
	s1 =	sadd.s32 s1, s30  }
0xbc: {  	s0 =	sor.u32 s3, s0;
	s1 =	sshll.u32 s1, $0x11  }
0xbd: {  	s0 =	sor.u32 s1, s0  }
0xbe: {  	s0 =	sadd.s32 $0x8F2B, s0  }
0xbf: {  	[sflag:s0] =	ssyncadd.remote.s32 $0x1  }
0xc0: {  	_ =	sfence.sel $0xFFFF  }
0xc1: {  	[dreg:$0x0] =	wrdreg $0xFFFFFFFF;
	(pc) =	sbr.abs _section_cstart, $3  }
0xc2: {  	[dreg:$0x1] =	wrdreg $0xFFFFFFFF  }
0xc3: {  	_ =	task.clear_ibuf [dreg:s8], $0x2FFFF;
	_ =	strace $0x9FFFFFFF  }
0xc4: {  	(tm) =	ssettm $0x7FFFFFFF  }
0xc5: {  	_ =	shalt  }
tec
execute0_lowered:
.L_overlay_start_1:
0x0: {  	(tag) =	ssettag $0x1  }
0x1: {  	s4 =	rddreg [dreg:$0x0]  }
0x2: {  	s3 =	rddreg [dreg:$0x1]  }
0x3: {  	s6 =	rddreg [dreg:$0x2];
	s1 =	stileid.u32  }
0x4: {  	s0 =	rddreg [dreg:$0x3];
	s2 =	srdreg.scid;
	s7 =	sshrl.u32 s1, $0x2  }
0x5: {  	s8 =	sand.u32 $0x1, s2;
	s5 =	sshll.u32 s1, $0x1;
	s2 =	simm.s32 $0x0  }
0x6: {  	s9 =	sor.u32 s8, s5;
	s10 =	sshll.u32 s7, $0x7;
	[smem:$0x7FF] =	sst s2  }
0x7: {  	v2 =	vlaneseq.u32;
	s5 =	sand.u32 $0x7, s9;
	s11 =	sor.u32 $0x10, s10;
	_ =	strace $0x80000047  }
0x8: {  	v1 =	vand.u32 $0x7, v2;
	v0 =	vor.u32 s10, v2;
	s12 =	sshll.u32 s9, $0x4;
	s25 =	sor.u32 $0x30, s10;
	s26 =	sor.u32 $0x40, s10  }
0x9: {  	v1 =	vmul.u32 $0x80, v1;
	s13 =	smul.u32 $0xFA0000, s5;
	v0 =	vshrl.u32 v0, $0x3;
	v3 =	vor.u32 s11, v2;
	s5 =	sadd.s32 s3, s12;
	s3 =	simm.s32 $0x2  }
0xa: {  	v4 =	vor.u32 s25, v2;
	v5 =	vor.u32 s26, v2;
	v0 =	vmul.u32 $0x3E800, v0;
	[tilespmem:s2], [sflag:$0x2] =	stream.linear.gather [hbm4b:s5+s2], $0x80, $0x38;
	[tilespmem:$0x200] =	vst v63  }
0xb: {  	s24 =	sor.u32 $0x20, s10;
	v3 =	vshrl.u32 v3, $0x3;
	v4 =	vshrl.u32 v4, $0x3;
	v8 =	vor.u32 s13, v1;
	_ =	swait.ge [sflag:s3], $0x80  }
0xc: {  	s28 =	sor.u32 $0x50, s10;
	v1 =	vmul.u32 $0x3E800, v3;
	v3 =	vor.u32 s24, v2;
	v6 =	vmul.u32 $0x3E800, v4;
	[sflag:s3] =	ssyncset.done $0x0  }
0xd: {  	s29 =	sor.u32 $0x60, s10;
	v4 =	vshrl.u32 v5, $0x3;
	v5 =	vor.u32 s28, v2;
	v0 =	vadd.s32 v0, v8;
	[sflag:s3] =	ssyncadd.s32 $0xFFFFFF80  }
0xe: {  	s10 =	sor.u32 $0x70, s10;
	v3 =	vshrl.u32 v3, $0x3;
	v7 =	vmul.u32 $0x3E800, v4;
	v4 =	vor.u32 s29, v2;
	v9 =	vld [tilespmem:$0x50]  }
0xf: {  	v2 =	vor.u32 s10, v2;
	v5 =	vshrl.u32 v5, $0x3;
	v1 =	vadd.s32 v1, v8;
	v10 =	vld [tilespmem:$0x40]  }
0x10: {  	v3 =	vmul.u32 $0x3E800, v3;
	v4 =	vshrl.u32 v4, $0x3;
	v2 =	vshrl.u32 v2, $0x3;
	v11 =	vld [tilespmem:$0x30]  }
0x11: {  	v12 =	vmul.u32 $0x3E800, v5;
	v13 =	vmul.u32 $0x3E800, v4;
	v2 =	vmul.u32 $0x3E800, v2;
	v14 =	vld [tilespmem:$0x20]  }
0x12: {  	v5 =	vadd.s32 v6, v8;
	v6 =	vadd.s32 v7, v8;
	v4 =	vadd.s32 v3, v8  }
0x13: {  	v7 =	vadd.s32 v12, v8;
	v3 =	vadd.s32 v13, v8;
	v2 =	vadd.s32 v2, v8  }
0x14: {  	s8 =	ssub.s32 $0x2, s8;
	v12 =	vshll.u32 v10, $0x3;
	v10 =	vand.u32 $0x7F, v10;
	v8 =	vshll.u32 v9, $0x3  }
0x15: {  	s7 =	sshll.u32 s7, $0x4;
	s30 =	sshrl.u32 s8, $0x1;
	v15 =	vshll.u32 v11, $0x3;
	v16 =	vand.u32 $0xFFFFFC00, v8;
	v8 =	vand.u32 $0x7F, v9;
	v9 =	vld [tilespmem:$0x10]  }
0x16: {  	s6 =	sadd.s32 s7, s6;
	s7 =	ssub.s32 s8, s30;
	v17 =	vshll.u32 v14, $0x3;
	v14 =	vand.u32 $0x7F, v14;
	v11 =	vand.u32 $0x7F, v11  }
0x17: {  	s31 =	smax.u32 s7, $0x1;
	v13 =	vld [tilespmem:$0x0];
	v17 =	vand.u32 $0xFFFFFC00, v17;
	v14 =	vor.u32 v14, v4;
	v12 =	vand.u32 $0xFFFFFC00, v12  }
0x18: {  	p0 =	sne.s32 s31, $0x1;
	v15 =	vand.u32 $0xFFFFFC00, v15;
	v11 =	vor.u32 v11, v5;
	v18 =	vor.u32 v8, v7;
	v8 =	vld [tilespmem:$0x70]  }
.Ltmp0:
0x19: {  	v10 =	vor.u32 v10, v6;
	v14 =	vadd.s32 v17, v14;
	v15 =	vadd.s32 v15, v11;
	(pc) =	sbr.rel @!p0 .LBB2_2-.Ltmp0, $4  }
0x1a: {  	s9 =	sshll.u32 s9, $0x6;
	v10 =	vadd.s32 v12, v10;
	[tilespmem:$0xA0] =	vst v14;
	v11 =	vshll.u32 v9, $0x3;
	v12 =	vand.u32 $0x7F, v9;
	v9 =	vld [tilespmem:$0x60]  }
0x1b: {  	s9 =	sand.u32 $0x1C0, s9;
	s8 =	simm.s32 $0x80;
	[tilespmem:$0xB0] =	vst v15  }
0x1c: {  	s6 =	sadd.s32 s9, s6;
	s9 =	simm.s32 $0x100;
	s7 =	simm.s32 $0x180;
	v63 =	vand.u32 $0x7F, v13;
	v16 =	vadd.s32 v16, v18;
	v14 =	vshll.u32 v13, $0x3;
	[tilespmem:$0xC0] =	vst v10  }
0x1d: {  	s6 =	sadd.s32 $0x800, s6;
	s11 =	sadd.s32 $0xFFFFFFFF, s31;
	s10 =	simm.s32 $0x1;
	[tilespmem:$0xD0] =	vst v16;
	v13 =	vand.u32 $0xFFFFFC00, v14;
	v14 =	vor.u32 v63, v0;
	v10 =	vand.u32 $0x7F, v8  }
.LBB2_1:
0x1e: {  	p0 =	sne.s32 s11, $0x1;
	s11 =	sadd.s32 $0xFFFFFFFF, s11;
	v13 =	vadd.s32 v13, v14;
	v11 =	vand.u32 $0xFFFFFC00, v11;
	v12 =	vor.u32 v12, v1  }
0x1f: {  	[tilespmem:$0x80] =	vst v13;
	v11 =	vadd.s32 v11, v12;
	v12 =	vshll.u32 v9, $0x3;
	v9 =	vand.u32 $0x7F, v9  }
0x20: {  	[tilespmem:$0x90] =	vst v11;
	v11 =	vand.u32 $0xFFFFFC00, v12;
	v9 =	vor.u32 v9, v3  }
0x21: {  	v9 =	vadd.s32 v11, v9  }
0x22: {  	v8 =	vshll.u32 v8, $0x3;
	[tilespmem:$0xE0] =	vst v9  }
0x23: {  	v8 =	vand.u32 $0xFFFFFC00, v8;
	v9 =	vor.u32 v10, v2  }
0x24: {  	v8 =	vadd.s32 v8, v9  }
0x25: {  	[tilespmem:$0xF0] =	vst v8  }
0x26: {  	[tilespmem:s9], [sflag:$0x1] =	stream.indirect.gather [hbm4b:s4+s8], $0x1, s8, s8, $0xb8;
	[tilespmem:$0x200] =	vst v63  }
0x27: {  	_ =	swait.ge [sflag:s10], $0x80  }
0x28: {  	[sflag:s10] =	ssyncset.done $0x0  }
0x29: {  	[sflag:s10] =	ssyncadd.s32 $0xFFFFFF80  }
0x2a: {  	v8 =	vld [tilespmem:$0x0]  }
0x2b: {  	v9 =	vld [tilespmem:$0x100]  }
0x2c: {  	v10 =	vld [tilespmem:$0x10]  }
0x2d: {  	v11 =	vld [tilespmem:$0x110]  }
0x2e: {  	v12 =	vld [tilespmem:$0x20]  }
0x2f: {  	v13 =	vld [tilespmem:$0x120]  }
0x30: {  	vm0 =	veq.s32 v8, $0x0;
	v8 =	vadd.f32 $0.0e+00, v9;
	v9 =	vld [tilespmem:$0x30]  }
0x31: {  	vm1 =	veq.s32 v10, $0x0;
	v10 =	vld [tilespmem:$0x130]  }
0x32: {  	v8 =	vsel vm0, $0x0, v8;
	v11 =	vsel vm1, $0x0, v11;
	v14 =	vld [tilespmem:$0x40]  }
0x33: {  	v8 =	vadd.f32 v11, v8;
	vm0 =	veq.s32 v12, $0x0;
	v11 =	vld [tilespmem:$0x140]  }
0x34: {  	v12 =	vsel vm0, $0x0, v13;
	v13 =	vld [tilespmem:$0x50]  }
0x35: {  	v8 =	vadd.f32 v12, v8;
	vm0 =	veq.s32 v9, $0x0;
	v9 =	vld [tilespmem:$0x150]  }
0x36: {  	v10 =	vsel vm0, $0x0, v10;
	v12 =	vld [tilespmem:$0x60]  }
0x37: {  	v8 =	vadd.f32 v10, v8;
	vm0 =	veq.s32 v14, $0x0;
	v10 =	vld [tilespmem:$0x160]  }
0x38: {  	v11 =	vsel vm0, $0x0, v11;
	v14 =	vld [tilespmem:$0x70]  }
0x39: {  	v8 =	vadd.f32 v11, v8;
	vm0 =	veq.s32 v13, $0x0;
	v11 =	vld [tilespmem:$0x170]  }
0x3a: {  	v9 =	vsel vm0, $0x0, v9  }
0x3b: {  	v8 =	vadd.f32 v9, v8;
	vm0 =	veq.s32 v12, $0x0  }
0x3c: {  	v9 =	vsel vm0, $0x0, v10  }
0x3d: {  	v8 =	vadd.f32 v9, v8;
	vm0 =	veq.s32 v14, $0x0  }
0x3e: {  	v9 =	vsel vm0, $0x0, v11  }
0x3f: {  	v8 =	vadd.f32 v9, v8;
	_ =	sdelay $0x1  }
0x40: {  	[tilespmem:$0x180] =	vst v8  }
0x41: {  	[hbm4b:s6+s2] =	stream.linear.scatter [tilespmem:s7], [sflag:$0x2], $0x80, $0x38;
	[tilespmem:$0x200] =	vst v63  }
0x42: {  	_ =	swait.ge [sflag:s3], $0x80  }
0x43: {  	[sflag:s3] =	ssyncset.done $0x0  }
0x44: {  	[sflag:s3] =	ssyncadd.s32 $0xFFFFFF80  }
0x45: {  	[tilespmem:s2], [sflag:$0x2] =	stream.linear.gather [hbm4b:s5+s2], $0x80, $0x38;
	[tilespmem:$0x200] =	vst v63  }
0x46: {  	_ =	swait.ge [sflag:s3], $0x80  }
0x47: {  	[sflag:s3] =	ssyncset.done $0x0  }
0x48: {  	[sflag:s3] =	ssyncadd.s32 $0xFFFFFF80  }
0x49: {  	v8 =	vld [tilespmem:$0x50]  }
0x4a: {  	v9 =	vld [tilespmem:$0x40]  }
0x4b: {  	v10 =	vld [tilespmem:$0x30]  }
0x4c: {  	v11 =	vld [tilespmem:$0x20]  }
0x4d: {  	v12 =	vld [tilespmem:$0x0]  }
0x4e: {  	v13 =	vld [tilespmem:$0x10]  }
0x4f: {  	v16 =	vshll.u32 v8, $0x3;
	v14 =	vshll.u32 v9, $0x3;
	v15 =	vand.u32 $0x7F, v9;
	v9 =	vld [tilespmem:$0x60]  }
0x50: {  	v18 =	vand.u32 $0x7F, v8;
	v16 =	vand.u32 $0xFFFFFC00, v16;
	v17 =	vshll.u32 v10, $0x3;
	v8 =	vld [tilespmem:$0x70]  }
0x51: {  	v18 =	vor.u32 v18, v7;
	v19 =	vshll.u32 v11, $0x3;
	v11 =	vand.u32 $0x7F, v11  }
0x52: {  	v16 =	vadd.s32 v16, v18;
	v19 =	vand.u32 $0xFFFFFC00, v19;
	v11 =	vor.u32 v11, v4  }
.Ltmp1:
0x53: {  	v10 =	vand.u32 $0x7F, v10;
	v14 =	vand.u32 $0xFFFFFC00, v14;
	v11 =	vadd.s32 v19, v11;
	[tilespmem:$0xD0] =	vst v16;
	(pc) =	sbr.rel @p0 .LBB2_1-.Ltmp1, $4  }
0x54: {  	v15 =	vor.u32 v15, v6;
	v10 =	vor.u32 v10, v5;
	[tilespmem:$0xA0] =	vst v11;
	v11 =	vand.u32 $0xFFFFFC00, v17  }
0x55: {  	v15 =	vadd.s32 v14, v15;
	v16 =	vshll.u32 v12, $0x3;
	v10 =	vadd.s32 v11, v10  }
0x56: {  	v14 =	vand.u32 $0x7F, v12;
	v12 =	vand.u32 $0x7F, v13;
	v11 =	vshll.u32 v13, $0x3;
	[tilespmem:$0xB0] =	vst v10  }
0x57: {  	v14 =	vor.u32 v14, v0;
	v13 =	vand.u32 $0xFFFFFC00, v16;
	v10 =	vand.u32 $0x7F, v8;
	[tilespmem:$0xC0] =	vst v15  }
.LBB2_2:
0x58: {  	v0 =	vadd.s32 v13, v14;
	v4 =	vand.u32 $0xFFFFFC00, v11;
	v1 =	vor.u32 v12, v1  }
0x59: {  	v45 =	vshll.u32 v8, $0x3;
	v2 =	vor.u32 v10, v2;
	v1 =	vadd.s32 v4, v1  }
0x5a: {  	v43 =	vshll.u32 v9, $0x3;
	v5 =	vand.u32 $0x7F, v9;
	[tilespmem:$0x80] =	vst v0;
	v46 =	vand.u32 $0xFFFFFC00, v45  }
0x5b: {  	v44 =	vand.u32 $0xFFFFFC00, v43;
	v3 =	vor.u32 v5, v3;
	[tilespmem:$0x90] =	vst v1;
	v47 =	vadd.s32 v46, v2  }
0x5c: {  	v0 =	vadd.s32 v44, v3;
	[tilespmem:$0xF0] =	vst v47  }
0x5d: {  	[tilespmem:$0xE0] =	vst v0  }
0x5e: {  	[tilespmem:s9], [sflag:$0x1] =	stream.indirect.gather [hbm4b:s4+s8], $0x1, s8, s8, $0xb8;
	[tilespmem:$0x200] =	vst v63  }
0x5f: {  	_ =	swait.ge [sflag:s10], $0x80  }
0x60: {  	[sflag:s10] =	ssyncset.done $0x0  }
0x61: {  	[sflag:s10] =	ssyncadd.s32 $0xFFFFFF80  }
0x62: {  	v48 =	vld [tilespmem:$0x0]  }
0x63: {  	v49 =	vld [tilespmem:$0x100]  }
0x64: {  	v50 =	vld [tilespmem:$0x10]  }
0x65: {  	v51 =	vld [tilespmem:$0x110]  }
0x66: {  	v52 =	vld [tilespmem:$0x20]  }
0x67: {  	v53 =	vld [tilespmem:$0x120]  }
0x68: {  	v6 =	vld [tilespmem:$0x30];
	v1 =	vadd.f32 $0.0e+00, v49  }
0x69: {  	v54 =	vld [tilespmem:$0x130];
	vm0 =	veq.s32 v48, $0x0;
	vm1 =	veq.s32 v50, $0x0  }
0x6a: {  	v55 =	vld [tilespmem:$0x40];
	v2 =	vsel vm1, $0x0, v51;
	v1 =	vsel vm0, $0x0, v1  }
0x6b: {  	v56 =	vld [tilespmem:$0x140];
	vm10 =	veq.s32 v52, $0x0;
	v1 =	vadd.f32 v2, v1  }
0x6c: {  	v57 =	vld [tilespmem:$0x50];
	v4 =	vsel vm10, $0x0, v53  }
0x6d: {  	v58 =	vld [tilespmem:$0x150];
	vm11 =	veq.s32 v6, $0x0;
	v1 =	vadd.f32 v4, v1  }
0x6e: {  	v59 =	vld [tilespmem:$0x60];
	v0 =	vsel vm11, $0x0, v54  }
0x6f: {  	v60 =	vld [tilespmem:$0x160];
	vm12 =	veq.s32 v55, $0x0;
	v0 =	vadd.f32 v0, v1  }
0x70: {  	v61 =	vld [tilespmem:$0x70];
	v2 =	vsel vm12, $0x0, v56  }
0x71: {  	v62 =	vld [tilespmem:$0x170];
	vm13 =	veq.s32 v57, $0x0;
	v0 =	vadd.f32 v2, v0  }
0x72: {  	v4 =	vsel vm13, $0x0, v58  }
0x73: {  	vm14 =	veq.s32 v59, $0x0;
	v0 =	vadd.f32 v4, v0  }
0x74: {  	v1 =	vsel vm14, $0x0, v60  }
0x75: {  	vm15 =	veq.s32 v61, $0x0;
	v0 =	vadd.f32 v1, v0  }
0x76: {  	v63 =	vsel vm15, $0x0, v62  }
0x77: {  	v0 =	vadd.f32 v63, v0;
	_ =	sdelay $0x1  }
0x78: {  	[tilespmem:$0x180] =	vst v0  }
0x79: {  	[hbm4b:s6+s2] =	stream.linear.scatter [tilespmem:s7], [sflag:$0x2], $0x80, $0x38;
	[tilespmem:$0x200] =	vst v63  }
0x7a: {  	_ =	swait.ge [sflag:s3], $0x80  }
0x7b: {  	[sflag:s3] =	ssyncset.done $0x0  }
0x7c: {  	[sflag:s3] =	ssyncadd.s32 $0xFFFFFF80  }
0x7d: {  	_ =	sfence.sel $0x180000  }
0x7e: {  	[bflag:$0x0] =	sbarrier.arrive $0xFFFF  }
0x7f: {  	p0 =	sne.s32 s1, $0x0;
	_ =	strace $0x90000047  }
0x80: {  	s0 =	sadd.s32 @!p0 $0x100000, s0;
	[bflag:$0x2] =	sbarrier.arrive $0xFFFF  }
0x81: {  	[sflag:s0] =	ssyncadd.tile.s32 @!p0 $0x1;
	_ =	shalt  }
.Lfunc_end2:
_tile_overlayer_lowered:
.L_overlay_start_2:
0x82: {  	(tag) =	ssettag $0x2  }
0x83: {  	s0 =	rddreg [dreg:$0x0];
	s2 =	stileid.u32  }
0x84: {  	s1 =	rddreg [dreg:$0x1];
	p0 =	sne.s32 s2, $0x0  }
0x85: {  	s3 =	rddreg [dreg:$0x2];
	[bflag:$0x3] =	sbarrier.arrive $0xFFFF;
	s2 =	simm.s32 @!p0 $0x1C02  }
0x86: {  	[timem:s3], [sflag:s2] =	dma.local @!p0 [hbm:s0], s1  }
0x87: {  	s0 =	simm.s32 @!p0 $0x2  }
0x88: {  	_ =	swait.ge @!p0 [sflag:s0], s1  }
0x89: {  	s1 =	ssub.s32 @!p0 $0x0, s1;
	[sflag:s0] =	ssyncset.done @!p0 $0x0  }
0x8a: {  	[sflag:s0] =	ssyncadd.s32 @!p0 s1  }
0x8b: {  	[bflag:$0x3] =	sbarrier.arrive $0xFFFF  }
0x8c: {  	_ =	shalt  }

</sc_bundles>
